<compile_context>
chip_gen: v7x
topology: tpu7x:2x2x1
jax: 0.10.2.dev20260603
libtpu: 0.0.44.dev20260713+nightly
codegen_flags: <defaults>
</compile_context>

<pallas_src>
import functools

import jax
import jax.numpy as jnp
from jax import lax
from jax.experimental import pallas as pl
from jax.experimental.pallas import tpu as pltpu
from jax.experimental.pallas import tpu_sc as plsc

_NUM_BOXES = 20000
_NUM_CLASSES = 80
_NUM_SEL = 20000


def _reduce_body(s_ref, maxv_ref, cls_ref):
    s = s_ref[...]
    m = jnp.max(s, axis=0, keepdims=True)
    ids = lax.broadcasted_iota(jnp.int32, s.shape, 0)
    cl = jnp.min(jnp.where(s == m, ids, _NUM_CLASSES), axis=0, keepdims=True)
    maxv_ref[...] = m[0]
    cls_ref[...] = cl.astype(jnp.float32)[0]


def _cls_reduce(scores2d):
    return pl.pallas_call(
        _reduce_body,
        grid=(1,),
        in_specs=[pl.BlockSpec((_NUM_CLASSES, _NUM_BOXES), lambda i: (0, 0))],
        out_specs=[
            pl.BlockSpec((_NUM_BOXES,), lambda i: (0,)),
            pl.BlockSpec((_NUM_BOXES,), lambda i: (0,)),
        ],
        out_shape=[
            jax.ShapeDtypeStruct((_NUM_BOXES,), jnp.float32),
            jax.ShapeDtypeStruct((_NUM_BOXES,), jnp.float32),
        ],
    )(scores2d)



_NUM_SC_CORES = 2
_NUM_SC_SUBCORES = 16
_NW = _NUM_SC_CORES * _NUM_SC_SUBCORES
_CHW = 640
_SEL_PAD = _NW * _CHW

_mesh = plsc.VectorSubcoreMesh(
    core_axis_name="c", subcore_axis_name="s",
    num_cores=_NUM_SC_CORES, num_subcores=_NUM_SC_SUBCORES,
)

def _make_sc_gather(nsrc):
    @functools.partial(
        pl.kernel,
        out_type=jax.ShapeDtypeStruct((nsrc, _SEL_PAD), jnp.float32),
        mesh=_mesh,
        scratch_types=[
            pltpu.VMEM((_CHW,), jnp.int32),
            pltpu.VMEM((nsrc, _CHW), jnp.float32),
            pltpu.SemaphoreType.DMA,
        ],
        compiler_params=pltpu.CompilerParams(
            use_tc_tiling_on_sc=False, needs_layout_passes=False),
    )
    def _gather(*refs):
        srcs = refs[:nsrc]
        idx_hbm = refs[nsrc]
        out_hbm = refs[nsrc + 1]
        idx_v, cols_v, sem = refs[nsrc + 2:]
        wid = lax.axis_index("s") * _NUM_SC_CORES + lax.axis_index("c")
        base = wid * _CHW
        pltpu.sync_copy(idx_hbm.at[pl.ds(base, _CHW)], idx_v)
        copies = [pltpu.async_copy(src.at[idx_v], cols_v.at[j], sem)
                  for j, src in enumerate(srcs)]
        for c in copies:
            c.wait()
        pltpu.sync_copy(cols_v, out_hbm.at[:, pl.ds(base, _CHW)])

    return _gather


_sc_gather6 = _make_sc_gather(6)




def kernel(idxTensor, boxes, scores):
    idx = jnp.concatenate(
        [idxTensor[:, 2], jnp.zeros((_SEL_PAD - _NUM_SEL,), jnp.int32)])
    maxv, clsf = _cls_reduce(scores[0])
    out6 = _sc_gather6(
        boxes[0, 0], boxes[0, 1], boxes[0, 2], boxes[0, 3],
        maxv, clsf, idx)
    concatenated = out6[:, :_NUM_SEL].T
    batches = idxTensor[:, 0]
    return (concatenated, batches)

# --- scband reference (transcript-rebuilt; emitter-appended) ---
"""Pipeline reference for scband-transform-45131516346937 (READ-ONLY COPY).

The authoritative reference and input builder live on the scoring server;
editing this copy changes nothing except your own understanding.
"""

import jax, jax.numpy as jnp
import numpy as np

B, NB, NC, NS = 1, 20000, 80, 20000


def _gather(target, idxTensor):
    # pick_indices = idxTensor[..., -1:].repeat(1, target.shape[1]) -> [N, C]
    pick = jnp.repeat(idxTensor[..., -1:], target.shape[1], axis=1)
    pick = pick[None, ...]  # unsqueeze(0) -> [1, N, C]
    permuted = jnp.transpose(target, (0, 2, 1))  # [B, num_boxes, C]
    # torch.gather(permuted, 1, pick): out[i,j,k] = permuted[i, pick[i,j,k], k]; index batch dim is 1
    return jnp.take_along_axis(permuted[:1], pick, axis=1)  # [1, N, C]


def setup_inputs(seed: int = 0) -> dict:
    key = jax.random.key(seed)
    k1, k2, k3 = jax.random.split(key, 3)
    idxTensor = jax.random.randint(k1, (NS, 3), 0, NB, dtype=jnp.int32)
    boxes = jax.random.uniform(k2, (B, 4, NB), dtype=jnp.float32)
    scores = jax.random.uniform(k3, (B, NC, NB), dtype=jnp.float32)
    return {"idxTensor": idxTensor, "boxes": boxes, "scores": scores}


def reference(idxTensor, boxes, scores):
    batches = idxTensor[:, 0]
    bbox_result = _gather(boxes, idxTensor)            # [1, N, 4]
    sg = _gather(scores, idxTensor)                    # [1, N, num_classes]
    score_result = jnp.max(sg, axis=-1)                # [1, N]
    classes_result = jnp.argmax(sg, axis=-1)           # [1, N]
    concatenated = jnp.concatenate(
        [bbox_result[0], score_result.T, classes_result.T.astype(jnp.float32)],
        axis=-1,
    )  # [N, 6] (torch.cat type-promotes int classes to float)
    return (concatenated, batches)

if __name__ == "__main__":
    import jax
    _d = setup_inputs()
    print(jax.jit(kernel)(*tuple(_d.values())))

</pallas_src>

<mosaic_0001>
#map = affine_map<(d0, d1) -> (0)>
#map1 = affine_map<(d0, d1) -> (0, 0)>
module attributes {stable_mosaic.version = 14 : i64} {
  func.func @_gather(%arg0: i32, %arg1: i32, %arg2: memref<20000xf32, #tpu.memory_space<hbm>>, %arg3: memref<20000xf32, #tpu.memory_space<hbm>>, %arg4: memref<20000xf32, #tpu.memory_space<hbm>>, %arg5: memref<20000xf32, #tpu.memory_space<hbm>>, %arg6: memref<20000xf32, #tpu.memory_space<hbm>>, %arg7: memref<20000xf32, #tpu.memory_space<hbm>>, %arg8: memref<20480xi32, #tpu.memory_space<hbm>>, %arg9: memref<6x20480xf32, #tpu.memory_space<hbm>>, %arg10: memref<640xi32, #tpu.memory_space<vmem>>, %arg11: memref<6x640xf32, #tpu.memory_space<vmem>>, %arg12: memref<!tpu.dma_semaphore, #tpu.memory_space<semaphore_mem>>) attributes {dimension_semantics = [#tpu.dimension_semantics<core_parallel>, #tpu.dimension_semantics<subcore_parallel>], iteration_bounds = array<i64: 2, 16>, scalar_prefetch = 0 : i64, scratch_operands = 3 : i64, tpu.core_type = #tpu.core_type<sc_vector_subcore>, window_params = [{transform_indices = #map}, {transform_indices = #map}, {transform_indices = #map}, {transform_indices = #map}, {transform_indices = #map}, {transform_indices = #map}, {transform_indices = #map}, {transform_indices = #map1}]} {
    %mul3A = arith.constant 2 : i32
    %mul3A_0 = arith.muli %arg1, %mul3A : i32
    %add3A = arith.addi %mul3A_0, %arg0 : i32
    %mul3A_1 = arith.constant 640 : i32
    %mul3A_2 = arith.muli %add3A, %mul3A_1 : i32
    "tpu.region"() ({
      %run_scoped3A = tpu.sem_alloc : memref<!tpu.dma_semaphore, #tpu.memory_space<semaphore_mem>>
      %dma_start3A_73 = tpu.memref_slice %arg8[%mul3A_2] : memref<20480xi32, #tpu.memory_space<hbm>> -> memref<640xi32, #tpu.memory_space<hbm>>
      %dma_start3A_74 = tpu.memref_slice %arg8[%mul3A_2] : memref<20480xi32, #tpu.memory_space<hbm>> -> memref<640xi32, #tpu.memory_space<hbm>>
      tpu.enqueue_dma source(%dma_start3A_74 : memref<640xi32, #tpu.memory_space<hbm>>) target(%arg10 : memref<640xi32, #tpu.memory_space<vmem>>) target_semaphore(%run_scoped3A : memref<!tpu.dma_semaphore, #tpu.memory_space<semaphore_mem>>)
      %dma_wait3A_75 = tpu.memref_slice %arg8[%mul3A_2] : memref<20480xi32, #tpu.memory_space<hbm>> -> memref<640xi32, #tpu.memory_space<hbm>>
      %dma_wait3A_76 = tpu.memref_slice %arg8[%mul3A_2] : memref<20480xi32, #tpu.memory_space<hbm>> -> memref<640xi32, #tpu.memory_space<hbm>>
      tpu.wait_dma2 semaphore(%run_scoped3A : memref<!tpu.dma_semaphore, #tpu.memory_space<semaphore_mem>>) src(%dma_wait3A_76 : memref<640xi32, #tpu.memory_space<hbm>>) dst(%arg10 : memref<640xi32, #tpu.memory_space<vmem>>)
      tpu.yield
    }) : () -> ()
    %dma_start3A = arith.constant 0 : i32
    %dma_start3A_3 = arith.constant 0 : i32
    %dma_start3A_4 = tpu.memref_slice %arg11[%dma_start3A, %dma_start3A_3] : memref<6x640xf32, #tpu.memory_space<vmem>> -> memref<1x640xf32, #tpu.memory_space<vmem>>
    %dma_start3A_5 = tpu.memref_squeeze %dma_start3A_4 : memref<1x640xf32, #tpu.memory_space<vmem>> -> memref<640xf32, #tpu.memory_space<vmem>>
    %dma_start3A_6 = arith.constant 0 : i32
    %dma_start3A_7 = tpu.memref_slice %arg2[%dma_start3A_6] : memref<20000xf32, #tpu.memory_space<hbm>> -> memref<20000xf32, #tpu.memory_space<hbm>>
    tpu.enqueue_indirect_dma source(%dma_start3A_7 : memref<20000xf32, #tpu.memory_space<hbm>>) target(%dma_start3A_5 : memref<640xf32, #tpu.memory_space<vmem>>) offsets(%arg10 : memref<640xi32, #tpu.memory_space<vmem>>) semaphore(%arg12 : memref<!tpu.dma_semaphore, #tpu.memory_space<semaphore_mem>>)
    %dma_start3A_8 = arith.constant 1 : i32
    %dma_start3A_9 = arith.constant 0 : i32
    %dma_start3A_10 = tpu.memref_slice %arg11[%dma_start3A_8, %dma_start3A_9] : memref<6x640xf32, #tpu.memory_space<vmem>> -> memref<1x640xf32, #tpu.memory_space<vmem>>
    %dma_start3A_11 = tpu.memref_squeeze %dma_start3A_10 : memref<1x640xf32, #tpu.memory_space<vmem>> -> memref<640xf32, #tpu.memory_space<vmem>>
    %dma_start3A_12 = arith.constant 0 : i32
    %dma_start3A_13 = tpu.memref_slice %arg3[%dma_start3A_12] : memref<20000xf32, #tpu.memory_space<hbm>> -> memref<20000xf32, #tpu.memory_space<hbm>>
    tpu.enqueue_indirect_dma source(%dma_start3A_13 : memref<20000xf32, #tpu.memory_space<hbm>>) target(%dma_start3A_11 : memref<640xf32, #tpu.memory_space<vmem>>) offsets(%arg10 : memref<640xi32, #tpu.memory_space<vmem>>) semaphore(%arg12 : memref<!tpu.dma_semaphore, #tpu.memory_space<semaphore_mem>>)
    %dma_start3A_14 = arith.constant 2 : i32
    %dma_start3A_15 = arith.constant 0 : i32
    %dma_start3A_16 = tpu.memref_slice %arg11[%dma_start3A_14, %dma_start3A_15] : memref<6x640xf32, #tpu.memory_space<vmem>> -> memref<1x640xf32, #tpu.memory_space<vmem>>
    %dma_start3A_17 = tpu.memref_squeeze %dma_start3A_16 : memref<1x640xf32, #tpu.memory_space<vmem>> -> memref<640xf32, #tpu.memory_space<vmem>>
    %dma_start3A_18 = arith.constant 0 : i32
    %dma_start3A_19 = tpu.memref_slice %arg4[%dma_start3A_18] : memref<20000xf32, #tpu.memory_space<hbm>> -> memref<20000xf32, #tpu.memory_space<hbm>>
    tpu.enqueue_indirect_dma source(%dma_start3A_19 : memref<20000xf32, #tpu.memory_space<hbm>>) target(%dma_start3A_17 : memref<640xf32, #tpu.memory_space<vmem>>) offsets(%arg10 : memref<640xi32, #tpu.memory_space<vmem>>) semaphore(%arg12 : memref<!tpu.dma_semaphore, #tpu.memory_space<semaphore_mem>>)
    %dma_start3A_20 = arith.constant 3 : i32
    %dma_start3A_21 = arith.constant 0 : i32
    %dma_start3A_22 = tpu.memref_slice %arg11[%dma_start3A_20, %dma_start3A_21] : memref<6x640xf32, #tpu.memory_space<vmem>> -> memref<1x640xf32, #tpu.memory_space<vmem>>
    %dma_start3A_23 = tpu.memref_squeeze %dma_start3A_22 : memref<1x640xf32, #tpu.memory_space<vmem>> -> memref<640xf32, #tpu.memory_space<vmem>>
    %dma_start3A_24 = arith.constant 0 : i32
    %dma_start3A_25 = tpu.memref_slice %arg5[%dma_start3A_24] : memref<20000xf32, #tpu.memory_space<hbm>> -> memref<20000xf32, #tpu.memory_space<hbm>>
    tpu.enqueue_indirect_dma source(%dma_start3A_25 : memref<20000xf32, #tpu.memory_space<hbm>>) target(%dma_start3A_23 : memref<640xf32, #tpu.memory_space<vmem>>) offsets(%arg10 : memref<640xi32, #tpu.memory_space<vmem>>) semaphore(%arg12 : memref<!tpu.dma_semaphore, #tpu.memory_space<semaphore_mem>>)
    %dma_start3A_26 = arith.constant 4 : i32
    %dma_start3A_27 = arith.constant 0 : i32
    %dma_start3A_28 = tpu.memref_slice %arg11[%dma_start3A_26, %dma_start3A_27] : memref<6x640xf32, #tpu.memory_space<vmem>> -> memref<1x640xf32, #tpu.memory_space<vmem>>
    %dma_start3A_29 = tpu.memref_squeeze %dma_start3A_28 : memref<1x640xf32, #tpu.memory_space<vmem>> -> memref<640xf32, #tpu.memory_space<vmem>>
    %dma_start3A_30 = arith.constant 0 : i32
    %dma_start3A_31 = tpu.memref_slice %arg6[%dma_start3A_30] : memref<20000xf32, #tpu.memory_space<hbm>> -> memref<20000xf32, #tpu.memory_space<hbm>>
    tpu.enqueue_indirect_dma source(%dma_start3A_31 : memref<20000xf32, #tpu.memory_space<hbm>>) target(%dma_start3A_29 : memref<640xf32, #tpu.memory_space<vmem>>) offsets(%arg10 : memref<640xi32, #tpu.memory_space<vmem>>) semaphore(%arg12 : memref<!tpu.dma_semaphore, #tpu.memory_space<semaphore_mem>>)
    %dma_start3A_32 = arith.constant 5 : i32
    %dma_start3A_33 = arith.constant 0 : i32
    %dma_start3A_34 = tpu.memref_slice %arg11[%dma_start3A_32, %dma_start3A_33] : memref<6x640xf32, #tpu.memory_space<vmem>> -> memref<1x640xf32, #tpu.memory_space<vmem>>
    %dma_start3A_35 = tpu.memref_squeeze %dma_start3A_34 : memref<1x640xf32, #tpu.memory_space<vmem>> -> memref<640xf32, #tpu.memory_space<vmem>>
    %dma_start3A_36 = arith.constant 0 : i32
    %dma_start3A_37 = tpu.memref_slice %arg7[%dma_start3A_36] : memref<20000xf32, #tpu.memory_space<hbm>> -> memref<20000xf32, #tpu.memory_space<hbm>>
    tpu.enqueue_indirect_dma source(%dma_start3A_37 : memref<20000xf32, #tpu.memory_space<hbm>>) target(%dma_start3A_35 : memref<640xf32, #tpu.memory_space<vmem>>) offsets(%arg10 : memref<640xi32, #tpu.memory_space<vmem>>) semaphore(%arg12 : memref<!tpu.dma_semaphore, #tpu.memory_space<semaphore_mem>>)
    %dma_wait3A = arith.constant 0 : i32
    %dma_wait3A_38 = arith.constant 0 : i32
    %dma_wait3A_39 = tpu.memref_slice %arg11[%dma_wait3A, %dma_wait3A_38] : memref<6x640xf32, #tpu.memory_space<vmem>> -> memref<1x640xf32, #tpu.memory_space<vmem>>
    %dma_wait3A_40 = tpu.memref_squeeze %dma_wait3A_39 : memref<1x640xf32, #tpu.memory_space<vmem>> -> memref<640xf32, #tpu.memory_space<vmem>>
    %dma_wait3A_41 = arith.constant 0 : i32
    %dma_wait3A_42 = tpu.memref_slice %arg2[%dma_wait3A_41] : memref<20000xf32, #tpu.memory_space<hbm>> -> memref<20000xf32, #tpu.memory_space<hbm>>
    tpu.wait_indirect_dma semaphore(%arg12 : memref<!tpu.dma_semaphore, #tpu.memory_space<semaphore_mem>>) src(%dma_wait3A_42 : memref<20000xf32, #tpu.memory_space<hbm>>) dst(%dma_wait3A_40 : memref<640xf32, #tpu.memory_space<vmem>>)
    %dma_wait3A_43 = arith.constant 1 : i32
    %dma_wait3A_44 = arith.constant 0 : i32
    %dma_wait3A_45 = tpu.memref_slice %arg11[%dma_wait3A_43, %dma_wait3A_44] : memref<6x640xf32, #tpu.memory_space<vmem>> -> memref<1x640xf32, #tpu.memory_space<vmem>>
    %dma_wait3A_46 = tpu.memref_squeeze %dma_wait3A_45 : memref<1x640xf32, #tpu.memory_space<vmem>> -> memref<640xf32, #tpu.memory_space<vmem>>
    %dma_wait3A_47 = arith.constant 0 : i32
    %dma_wait3A_48 = tpu.memref_slice %arg3[%dma_wait3A_47] : memref<20000xf32, #tpu.memory_space<hbm>> -> memref<20000xf32, #tpu.memory_space<hbm>>
    tpu.wait_indirect_dma semaphore(%arg12 : memref<!tpu.dma_semaphore, #tpu.memory_space<semaphore_mem>>) src(%dma_wait3A_48 : memref<20000xf32, #tpu.memory_space<hbm>>) dst(%dma_wait3A_46 : memref<640xf32, #tpu.memory_space<vmem>>)
    %dma_wait3A_49 = arith.constant 2 : i32
    %dma_wait3A_50 = arith.constant 0 : i32
    %dma_wait3A_51 = tpu.memref_slice %arg11[%dma_wait3A_49, %dma_wait3A_50] : memref<6x640xf32, #tpu.memory_space<vmem>> -> memref<1x640xf32, #tpu.memory_space<vmem>>
    %dma_wait3A_52 = tpu.memref_squeeze %dma_wait3A_51 : memref<1x640xf32, #tpu.memory_space<vmem>> -> memref<640xf32, #tpu.memory_space<vmem>>
    %dma_wait3A_53 = arith.constant 0 : i32
    %dma_wait3A_54 = tpu.memref_slice %arg4[%dma_wait3A_53] : memref<20000xf32, #tpu.memory_space<hbm>> -> memref<20000xf32, #tpu.memory_space<hbm>>
    tpu.wait_indirect_dma semaphore(%arg12 : memref<!tpu.dma_semaphore, #tpu.memory_space<semaphore_mem>>) src(%dma_wait3A_54 : memref<20000xf32, #tpu.memory_space<hbm>>) dst(%dma_wait3A_52 : memref<640xf32, #tpu.memory_space<vmem>>)
    %dma_wait3A_55 = arith.constant 3 : i32
    %dma_wait3A_56 = arith.constant 0 : i32
    %dma_wait3A_57 = tpu.memref_slice %arg11[%dma_wait3A_55, %dma_wait3A_56] : memref<6x640xf32, #tpu.memory_space<vmem>> -> memref<1x640xf32, #tpu.memory_space<vmem>>
    %dma_wait3A_58 = tpu.memref_squeeze %dma_wait3A_57 : memref<1x640xf32, #tpu.memory_space<vmem>> -> memref<640xf32, #tpu.memory_space<vmem>>
    %dma_wait3A_59 = arith.constant 0 : i32
    %dma_wait3A_60 = tpu.memref_slice %arg5[%dma_wait3A_59] : memref<20000xf32, #tpu.memory_space<hbm>> -> memref<20000xf32, #tpu.memory_space<hbm>>
    tpu.wait_indirect_dma semaphore(%arg12 : memref<!tpu.dma_semaphore, #tpu.memory_space<semaphore_mem>>) src(%dma_wait3A_60 : memref<20000xf32, #tpu.memory_space<hbm>>) dst(%dma_wait3A_58 : memref<640xf32, #tpu.memory_space<vmem>>)
    %dma_wait3A_61 = arith.constant 4 : i32
    %dma_wait3A_62 = arith.constant 0 : i32
    %dma_wait3A_63 = tpu.memref_slice %arg11[%dma_wait3A_61, %dma_wait3A_62] : memref<6x640xf32, #tpu.memory_space<vmem>> -> memref<1x640xf32, #tpu.memory_space<vmem>>
    %dma_wait3A_64 = tpu.memref_squeeze %dma_wait3A_63 : memref<1x640xf32, #tpu.memory_space<vmem>> -> memref<640xf32, #tpu.memory_space<vmem>>
    %dma_wait3A_65 = arith.constant 0 : i32
    %dma_wait3A_66 = tpu.memref_slice %arg6[%dma_wait3A_65] : memref<20000xf32, #tpu.memory_space<hbm>> -> memref<20000xf32, #tpu.memory_space<hbm>>
    tpu.wait_indirect_dma semaphore(%arg12 : memref<!tpu.dma_semaphore, #tpu.memory_space<semaphore_mem>>) src(%dma_wait3A_66 : memref<20000xf32, #tpu.memory_space<hbm>>) dst(%dma_wait3A_64 : memref<640xf32, #tpu.memory_space<vmem>>)
    %dma_wait3A_67 = arith.constant 5 : i32
    %dma_wait3A_68 = arith.constant 0 : i32
    %dma_wait3A_69 = tpu.memref_slice %arg11[%dma_wait3A_67, %dma_wait3A_68] : memref<6x640xf32, #tpu.memory_space<vmem>> -> memref<1x640xf32, #tpu.memory_space<vmem>>
    %dma_wait3A_70 = tpu.memref_squeeze %dma_wait3A_69 : memref<1x640xf32, #tpu.memory_space<vmem>> -> memref<640xf32, #tpu.memory_space<vmem>>
    %dma_wait3A_71 = arith.constant 0 : i32
    %dma_wait3A_72 = tpu.memref_slice %arg7[%dma_wait3A_71] : memref<20000xf32, #tpu.memory_space<hbm>> -> memref<20000xf32, #tpu.memory_space<hbm>>
    tpu.wait_indirect_dma semaphore(%arg12 : memref<!tpu.dma_semaphore, #tpu.memory_space<semaphore_mem>>) src(%dma_wait3A_72 : memref<20000xf32, #tpu.memory_space<hbm>>) dst(%dma_wait3A_70 : memref<640xf32, #tpu.memory_space<vmem>>)
    "tpu.region"() ({
      %run_scoped3A = tpu.sem_alloc : memref<!tpu.dma_semaphore, #tpu.memory_space<semaphore_mem>>
      %dma_start3A_73 = arith.constant 0 : i32
      %dma_start3A_74 = tpu.memref_slice %arg9[%dma_start3A_73, %mul3A_2] : memref<6x20480xf32, #tpu.memory_space<hbm>> -> memref<6x640xf32, #tpu.memory_space<hbm>>
      %dma_start3A_75 = arith.constant 0 : i32
      %dma_start3A_76 = tpu.memref_slice %arg9[%dma_start3A_75, %mul3A_2] : memref<6x20480xf32, #tpu.memory_space<hbm>> -> memref<6x640xf32, #tpu.memory_space<hbm>>
      tpu.enqueue_dma source(%arg11 : memref<6x640xf32, #tpu.memory_space<vmem>>) target(%dma_start3A_76 : memref<6x640xf32, #tpu.memory_space<hbm>>) target_semaphore(%run_scoped3A : memref<!tpu.dma_semaphore, #tpu.memory_space<semaphore_mem>>)
      %dma_wait3A_77 = arith.constant 0 : i32
      %dma_wait3A_78 = tpu.memref_slice %arg9[%dma_wait3A_77, %mul3A_2] : memref<6x20480xf32, #tpu.memory_space<hbm>> -> memref<6x640xf32, #tpu.memory_space<hbm>>
      %dma_wait3A_79 = arith.constant 0 : i32
      %dma_wait3A_80 = tpu.memref_slice %arg9[%dma_wait3A_79, %mul3A_2] : memref<6x20480xf32, #tpu.memory_space<hbm>> -> memref<6x640xf32, #tpu.memory_space<hbm>>
      tpu.wait_dma2 semaphore(%run_scoped3A : memref<!tpu.dma_semaphore, #tpu.memory_space<semaphore_mem>>) src(%arg11 : memref<6x640xf32, #tpu.memory_space<vmem>>) dst(%dma_wait3A_80 : memref<6x640xf32, #tpu.memory_space<hbm>>)
      tpu.yield
    }) : () -> ()
    return
  }
}

module attributes {stable_mosaic.version = 14 : i64} {
  func.func @_reduce_body(%arg0: i32, %arg1: memref<80x20000xf32, #tpu.memory_space<vmem>>, %arg2: memref<20000xf32, #tpu.memory_space<vmem>>, %arg3: memref<20000xf32, #tpu.memory_space<vmem>>) attributes {dimension_semantics = [#tpu.dimension_semantics<arbitrary>], iteration_bounds = array<i64: 1>, scalar_prefetch = 0 : i64, scratch_operands = 0 : i64, tpu.core_type = #tpu.core_type<tc>, window_params = [{pipeline_mode = #tpu.pipeline_mode<synchronous>, transform_indices = @transform_0, window_bounds = array<i64: 80, 20000>}, {pipeline_mode = #tpu.pipeline_mode<synchronous>, transform_indices = @transform_1, window_bounds = array<i64: 20000>}, {pipeline_mode = #tpu.pipeline_mode<synchronous>, transform_indices = @transform_2, window_bounds = array<i64: 20000>}]} {
    %get3A = arith.constant 0 : index
    %get3A_0 = arith.constant 0 : index
    %get3A_1 = vector.load %arg1[%get3A, %get3A_0] : memref<80x20000xf32, #tpu.memory_space<vmem>>, vector<80x20000xf32>
    %reduce_max3A = arith.constant dense<0xFF800000> : vector<20000xf32>
    %reduce_max3A_2 = vector.multi_reduction <maximumf>, %get3A_1, %reduce_max3A [0] : vector<80x20000xf32> to vector<20000xf32>
    %broadcast_in_dim3A = vector.shape_cast %reduce_max3A_2 : vector<20000xf32> to vector<1x20000xf32>
    %iota3A = tpu.iota {dimensions = array<i32: 0>} : vector<80x20000xi32>
    %eq3A = vector.broadcast %broadcast_in_dim3A : vector<1x20000xf32> to vector<80x20000xf32>
    %eq3A_3 = arith.cmpf oeq, %get3A_1, %eq3A : vector<80x20000xf32>
    %jit3A = arith.constant 80 : i32
    %broadcast_in_dim3A_4 = vector.broadcast %jit3A : i32 to vector<80x20000xi32>
    %select_n3A = arith.select %eq3A_3, %iota3A, %broadcast_in_dim3A_4 : vector<80x20000xi1>, vector<80x20000xi32>
    %reduce_min3A = arith.constant dense<2147483647> : vector<20000xi32>
    %reduce_min3A_5 = vector.multi_reduction <minsi>, %select_n3A, %reduce_min3A [0] : vector<80x20000xi32> to vector<20000xi32>
    %broadcast_in_dim3A_6 = vector.shape_cast %reduce_min3A_5 : vector<20000xi32> to vector<1x20000xi32>
    %squeeze3A = vector.shape_cast %broadcast_in_dim3A : vector<1x20000xf32> to vector<20000xf32>
    %swap3A = arith.constant 0 : index
    %swap3A_7 = vector.load %arg2[%swap3A] : memref<20000xf32, #tpu.memory_space<vmem>>, vector<20000xf32>
    tpu.vector_store %arg2[%swap3A], %squeeze3A {strides = array<i32>} : memref<20000xf32, #tpu.memory_space<vmem>>, vector<20000xf32>,
    %convert_element_type3A = arith.sitofp %broadcast_in_dim3A_6 : vector<1x20000xi32> to vector<1x20000xf32>
    %squeeze3A_8 = vector.shape_cast %convert_element_type3A : vector<1x20000xf32> to vector<20000xf32>
    %swap3A_9 = arith.constant 0 : index
    %swap3A_10 = vector.load %arg3[%swap3A_9] : memref<20000xf32, #tpu.memory_space<vmem>>, vector<20000xf32>
    tpu.vector_store %arg3[%swap3A_9], %squeeze3A_8 {strides = array<i32>} : memref<20000xf32, #tpu.memory_space<vmem>>, vector<20000xf32>,
    return
  }
  func.func @transform_0(%arg0: i32) -> (i32, i32) {
    %c0_i32 = arith.constant 0 : i32
    %c0_i32_0 = arith.constant 0 : i32
    %c0_i32_1 = arith.constant 0 : i32
    return %c0_i32, %c0_i32_0 : i32, i32
  }
  func.func @transform_1(%arg0: i32) -> i32 {
    %c0_i32 = arith.constant 0 : i32
    %c0_i32_0 = arith.constant 0 : i32
    return %c0_i32 : i32
  }
  func.func @transform_2(%arg0: i32) -> i32 {
    %c0_i32 = arith.constant 0 : i32
    %c0_i32_0 = arith.constant 0 : i32
    return %c0_i32 : i32
  }
}

</mosaic_0001>

<sc_bundles>
// kernel: kernel.4.cloned.1.call-start
scs
__scs_entry_jumppad:
0x0: {  	(pc) =	sbr.rel $0x88, $3  }
0x1: {  	(tag) =	ssettag $0x0;
	lr =	simm.s32 $0x1  }
0x2: {  	[smem:$0x3F9E] =	sst lr;
	_ =	strace $0xD0000000  }
0x3: {  	_ = 	snop  }
0x4: {  	_ = 	snop  }
0x5: {  	_ = 	snop  }
0x6: {  	_ = 	snop  }
0x7: {  	_ = 	snop  }
__scs_overlays_trampoline_lowered:
0x8: {  	[smem:$0x3FAD] =	sst s0  }
0x9: {  	[smem:$0x3FAE] =	sst s1  }
0xa: {  	[smem:$0x3FAF] =	sst s2  }
0xb: {  	[smem:$0x3FB0] =	sst s3  }
0xc: {  	[smem:$0x3FB1] =	sst s4  }
0xd: {  	[smem:$0x3FB2] =	sst s5  }
0xe: {  	[smem:$0x3FB3] =	sst s6  }
0xf: {  	[smem:$0x3FB4] =	sst s7  }
0x10: {  	[smem:$0x3FB5] =	sst s8  }
0x11: {  	[smem:$0x3FB6] =	sst s9;
	s0 =	simm.s32 @!p0 $0x0  }
0x12: {  	s1 =	sld [smem:$0x3F9C];
	s0 =	simm.s32 @p0 $0x1  }
0x13: {  	[smem:$0x3FB7] =	sst s0;
	s0 =	simm.s32 @!p1 $0x0  }
0x14: {  	s2 =	sld [smem:$0x3F9B];
	s0 =	simm.s32 @p1 $0x1  }
0x15: {  	[smem:$0x3FB8] =	sst s0;
	s0 =	simm.s32 @!p2 $0x0  }
0x16: {  	s3 =	sld [smem:$0x3FDB];
	s0 =	simm.s32 @p2 $0x1  }
0x17: {  	s4 =	simm.s32 $0x1BF5;
	[smem:$0x3FBA] =	sst s0  }
0x18: {  	s0 =	sld [smem:$0x3F9D];
	_ =	swait.ge [sflag:s4], $0x0  }
0x19: {  	s7 =	sld [smem:$0x3F9E]  }
0x1a: {  	s8 =	sadd.s32 $0xFFFFE003, lr  }
0x1b: {  	s9 =	sadd.s32 $0xFFFFFEF7, lr;
	s5 =	simm.s32 $0xFFFFFFFF;
	p2 =	slt.u32 s8, $0xFFFFF086  }
0x1c: {  	p1 =	slt.u32 s9, $0xF7A;
	s5 =	simm.s32 @!p2 $0x0  }
0x1d: {  	s5 =	simm.s32 @p1 $0x1;
	p0 =	seq.s32 s7, s2  }
0x1e: {  	s7 =	smul.u32 @!p0 $0xF7A, s2;
	p2 =	seq.s32 @!p0 s5, $0x0  }
0x1f: {  	s9 =	smul.u32 $0xF7A, s1;
	s8 =	simm.s32 @!p0 $0x1BF5;
	p2 =	por !p2, p0  }
0x20: {  	[sflag:s8] =	ssyncset.s32 @!p0 $0xFFFFF086;
	s6 =	sadd.s32 @!p0 s3, s7;
	s7 =	simm.s32 @!p0 $0x108  }
0x21: {  	s3 =	sadd.s32 s3, s9;
	s6 =	sadd.s32 @!p0 $0x88, s6;
	s7 =	simm.s32 @p2 $0x1082  }
0x22: {  	[simem:s7], [sflag:s8] =	dma.local @!p0 [hbm:s6], $0xF7A  }
0x23: {  	s9 =	sor.u32 $0xD0000000, s2;
	s6 =	simm.s32 $0x108;
	_ =	swait.ge @!p0 [sflag:s8], $0x0  }
0x24: {  	s3 =	sadd.s32 $0x88, s3;
	s6 =	simm.s32 @!p1 $0x1082;
	[sflag:s4] =	ssyncset.s32 $0xFFFFF086  }
0x25: {  	[simem:s6], [sflag:s4] =	dma.local [hbm:s3], $0xF7A  }
0x26: {  	[smem:$0x3F9E] =	sst s1;
	(tag) =	ssettag s2;
	_ =	strace s9  }
0x27: {  	s1 =	sld [smem:$0x3FAE]  }
0x28: {  	s2 =	sld [smem:$0x3FAF]  }
0x29: {  	s4 =	sld [smem:$0x3FB1]  }
0x2a: {  	p0 =	seq.s32 s5, $0x0;
	s5 =	sld [smem:$0x3FB2]  }
0x2b: {  	s6 =	sld [smem:$0x3FB3]  }
0x2c: {  	s7 =	sld [smem:$0x3FB4]  }
0x2d: {  	s3 =	simm.s32 $0x108;
	s8 =	sld [smem:$0x3FB5]  }
0x2e: {  	s3 =	simm.s32 @!p0 $0x1082;
	s9 =	sld [smem:$0x3FB6]  }
0x2f: {  	lr =	sadd.s32 s0, s3;
	s0 =	sld [smem:$0x3FAD]  }
0x30: {  	s3 =	sld [smem:$0x3FB0]  }
0x31: {  	[smem:$0x3FB9] =	sst s10  }
0x32: {  	s10 =	sld [smem:$0x3FB7];
	_ =	sdelay $0x3  }
0x33: {  	p0 =	seq.s32 s10, $0x1;
	s10 =	sld [smem:$0x3FB9];
	_ =	sdelay $0x3  }
0x34: {  	[smem:$0x3FB9] =	sst s10  }
0x35: {  	s10 =	sld [smem:$0x3FB8];
	_ =	sdelay $0x3  }
0x36: {  	p1 =	seq.s32 s10, $0x1;
	s10 =	sld [smem:$0x3FB9];
	_ =	sdelay $0x3  }
0x37: {  	[smem:$0x3FB9] =	sst s10  }
0x38: {  	s10 =	sld [smem:$0x3FBA]  }
0x39: {  	_ = 	snop;
	(pc) =	sbr.ind lr, $3  }
0x3a: {  	_ = 	snop  }
0x3b: {  	_ = 	snop  }
0x3c: {  	p2 =	seq.s32 s10, $0x1;
	s10 =	sld [smem:$0x3FB9]  }
0x3d: {  	_ =	shalt  }
0x3e: {  	_ =	shalt  }
0x3f: {  	_ =	shalt  }
0x40: {  	_ =	shalt  }
0x41: {  	_ =	shalt  }
0x42: {  	_ =	shalt  }
0x43: {  	_ =	shalt  }
0x44: {  	_ =	shalt  }
0x45: {  	_ =	shalt  }
0x46: {  	_ =	shalt  }
0x47: {  	_ =	shalt  }
0x48: {  	_ =	shalt  }
0x49: {  	_ =	shalt  }
0x4a: {  	_ =	shalt  }
0x4b: {  	_ =	shalt  }
0x4c: {  	_ =	shalt  }
0x4d: {  	_ =	shalt  }
0x4e: {  	_ =	shalt  }
0x4f: {  	_ =	shalt  }
0x50: {  	_ =	shalt  }
0x51: {  	_ =	shalt  }
0x52: {  	_ =	shalt  }
0x53: {  	_ =	shalt  }
0x54: {  	_ =	shalt  }
0x55: {  	_ =	shalt  }
0x56: {  	_ =	shalt  }
0x57: {  	_ =	shalt  }
0x58: {  	_ =	shalt  }
0x59: {  	_ =	shalt  }
0x5a: {  	_ =	shalt  }
0x5b: {  	_ =	shalt  }
0x5c: {  	_ =	shalt  }
0x5d: {  	_ =	shalt  }
0x5e: {  	_ =	shalt  }
0x5f: {  	_ =	shalt  }
0x60: {  	_ =	shalt  }
0x61: {  	_ =	shalt  }
0x62: {  	_ =	shalt  }
0x63: {  	_ =	shalt  }
0x64: {  	_ =	shalt  }
0x65: {  	_ =	shalt  }
0x66: {  	_ =	shalt  }
0x67: {  	_ =	shalt  }
0x68: {  	_ =	shalt  }
0x69: {  	_ =	shalt  }
0x6a: {  	_ =	shalt  }
0x6b: {  	_ =	shalt  }
0x6c: {  	_ =	shalt  }
0x6d: {  	_ =	shalt  }
0x6e: {  	_ =	shalt  }
0x6f: {  	_ =	shalt  }
0x70: {  	_ =	shalt  }
0x71: {  	_ =	shalt  }
0x72: {  	_ =	shalt  }
0x73: {  	_ =	shalt  }
0x74: {  	_ =	shalt  }
0x75: {  	_ =	shalt  }
0x76: {  	_ =	shalt  }
0x77: {  	_ =	shalt  }
0x78: {  	_ =	shalt  }
0x79: {  	_ =	shalt  }
0x7a: {  	_ =	shalt  }
0x7b: {  	_ =	shalt  }
0x7c: {  	_ =	shalt  }
0x7d: {  	_ =	shalt  }
0x7e: {  	_ =	shalt  }
0x7f: {  	_ =	shalt  }
0x80: {  	_ =	shalt  }
0x81: {  	_ =	shalt  }
0x82: {  	_ =	shalt  }
0x83: {  	_ =	shalt  }
0x84: {  	_ =	shalt  }
0x85: {  	_ =	shalt  }
0x86: {  	_ =	shalt  }
0x87: {  	_ =	shalt  }
.Lfunc_end0:
.L_simem_size_0:
called_computation_lowered:
.L_overlay_start_0:
0x88: {  	s2 =	sld [smem:$0x3FD9]  }
0x89: {  	s3 =	sld [smem:$0x3FFE];
	_ =	sdelay $0x1  }
0x8a: {  	s1 =	srdreg.scid  }
0x8b: {  	s0 =	sand.u32 $0x1, s1  }
0x8c: {  	s14 =	sshll.u32 s0, $0xA;
	s2 =	sadd.s32 s3, s2  }
0x8d: {  	s2 =	sadd.s32 s2, s14  }
0x8e: {  	[smem:$0x3FC5] =	sst s2  }
0x8f: {  	_ = 	snop  }
0x90: {  	s2 =	sld [smem:$0x3FD0];
	_ =	sdelay $0x2  }
0x91: {  	s15 =	simm.s32 $0xA;
	s4 =	simm.s32 $0x10  }
0x92: {  	[smem:s4], [sflag:s15] =	dma.local [hbm:s2], $0x1  }
0x93: {  	_ =	swait.eq [sflag:s15], $0x1  }
0x94: {  	[sflag:s15] =	ssyncset.done $0x0  }
0x95: {  	[sflag:s15] =	ssyncadd.s32 $0xFFFFFFFF  }
0x96: {  	s16 =	sld [smem:$0x10];
	(tm) =	ssettm $0x1  }
0x97: {  	s17 =	sld [smem:$0x3FFB];
	_ =	sdelay $0x3  }
0x98: {  	_ =	strace s17  }
0x99: {  	s3 =	sld [smem:$0x3FFC];
	_ =	sdelay $0x3  }
0x9a: {  	_ =	strace s3  }
0x9b: {  	s3 =	sld [smem:$0x3FFD];
	_ =	sdelay $0x3  }
0x9c: {  	_ =	strace s3  }
0x9d: {  	_ =	strace $0x8FFFFFFF  }
0x9e: {  	s18 =	sld [smem:$0x3FDB];
	_ =	sdelay $0x1  }
0x9f: {  	s19 =	simm.s32 $_scs_section_size  }
0xa0: {  	s5 =	simm.s32 $_size__tile_overlayer_lowered;
	s6 =	simm.s32 $_tile_overlayer_lowered  }
0xa1: {  	s22 =	simm.s32 $0x1BFF;
	s21 =	sshll.u32 s6, $0x1;
	s3 =	sadd.s32 s19, s18  }
0xa2: {  	s7 =	simm.s32 $0x0;
	s20 =	sshll.u32 s5, $0x1;
	s5 =	sadd.s32 s21, s3  }
0xa3: {  	[timem:s7], [sflag:s22] =	dma.local [hbm:s5], s20  }
0xa4: {  	_ =	swait.ge [sflag:s22], s20  }
0xa5: {  	s4 =	ssub.s32 $0x0, s20;
	[sflag:s22] =	ssyncset.done $0x0  }
0xa6: {  	[sflag:s22] =	ssyncadd.s32 s4;
	_ =	sdelay $0x1  }
0xa7: {  	s23 =	simm.s32 $0x1B8B  }
0xa8: {  	_ =	swait.ge [sflag:s23], $0x1  }
0xa9: {  	[sflag:s23] =	ssyncset.done $0x0  }
0xaa: {  	s25 =	simm.s32 $0x1B8E;
	s24 =	sld [smem:$0x3FFE];
	[sflag:s23] =	ssyncadd.s32 $0xFFFFFFFF  }
0xab: {  	s26 =	simm.s32 $execute0_lowered;
	[smem:$0x3FD2] =	sst s25  }
0xac: {  	s5 =	sshll.u32 s26, $0x1;
	_ =	strace $0x80000046;
	[dreg:$0x1] =	wrdreg $0xFFFFFFFF  }
0xad: {  	s28 =	simm.s32 $_size_execute0_lowered;
	s3 =	sadd.s32 s3, s5;
	[dreg:$0x0] =	wrdreg $0x0  }
0xae: {  	s5 =	sshll.u32 s28, $0x1;
	[dreg:$0x2] =	wrdreg s3  }
0xaf: {  	[dreg:$0x3] =	wrdreg s5  }
0xb0: {  	[dreg:$0x4] =	wrdreg $0xC0  }
0xb1: {  	_ =	task [dreg:s7], $0x5FFFF  }
0xb2: {  	[dreg:$0x1] =	wrdreg $0xFFFFFFFF  }
0xb3: {  	[dreg:$0x0] =	wrdreg $0x60  }
0xb4: {  	[dreg:$0x2] =	wrdreg s24  }
0xb5: {  	[dreg:$0x3] =	wrdreg s16  }
0xb6: {  	[dreg:$0x4] =	wrdreg $0x9  }
0xb7: {  	_ =	task.clear_ibuf [dreg:s7], $0x5FFFF;
	_ =	strace $0x90000046  }
0xb8: {  	s29 =	simm.s32 $0x9;
	_ =	strace $0x80000048  }
0xb9: {  	_ =	swait.ge [sflag:s29], $0x1  }
0xba: {  	[sflag:s29] =	ssyncadd.s32 $0xFFFFFFFF  }
0xbb: {  	_ =	strace $0x90000048  }
0xbc: {  	_ =	sfence  }
0xbd: {  	s30 =	sld [smem:$0x0];
	_ =	sdelay $0x2  }
0xbe: {  	s31 =	sshll.u32 s1, $0xD;
	s1 =	sshrl.u32 s1, $0x2  }
0xbf: {  	s3 =	sand.u32 $0x4000, s31;
	s1 =	sadd.s32 s1, s30  }
0xc0: {  	s0 =	sor.u32 s3, s0;
	s1 =	sshll.u32 s1, $0x11  }
0xc1: {  	s0 =	sor.u32 s1, s0  }
0xc2: {  	s0 =	sadd.s32 $0x8F2B, s0  }
0xc3: {  	[sflag:s0] =	ssyncadd.remote.s32 $0x1  }
0xc4: {  	_ =	sfence.sel $0xFFFF  }
0xc5: {  	[dreg:$0x0] =	wrdreg $0xFFFFFFFF;
	(pc) =	sbr.abs _section_cstart, $3  }
0xc6: {  	[dreg:$0x1] =	wrdreg $0xFFFFFFFF  }
0xc7: {  	_ =	task.clear_ibuf [dreg:s7], $0x2FFFF;
	_ =	strace $0x9FFFFFFF  }
0xc8: {  	(tm) =	ssettm $0x7FFFFFFF  }
0xc9: {  	_ =	shalt  }
tec
execute0_lowered:
.L_overlay_start_1:
0x0: {  	(tag) =	ssettag $0x1  }
0x1: {  	s1 =	srdreg.scid;
	s0 =	stileid.u32  }
0x2: {  	s18 =	sand.u32 $0x1, s1;
	s30 =	sshll.u32 s0, $0x1  }
0x3: {  	s2 =	rddreg [dreg:$0x0];
	s1 =	sor.u32 s18, s30  }
0x4: {  	s19 =	rddreg [dreg:$0x1];
	s3 =	simm.s32 $0x0;
	s20 =	smul.u32 $0x50, s1  }
0x5: {  	[smem:$0x7FF] =	sst s3  }
0x6: {  	s1 =	rddreg [dreg:$0x2];
	s4 =	sadd.s32 s20, s2  }
0x7: {  	_ =	strace $0x80000047;
	s5 =	sadd.s32 $0x3C00, s4;
	s4 =	simm.s32 $0x2  }
0x8: {  	[tilespmem:s3], [sflag:$0x2] =	stream.linear.gather [hbm4b:s5+s3], $0x280, $0x38;
	[tilespmem:$0x1180] =	vst v63  }
0x9: {  	_ =	swait.ge [sflag:s4], $0x280  }
0xa: {  	[sflag:s4] =	ssyncset.done $0x0  }
0xb: {  	s7 =	simm.s32 $0x280;
	s6 =	sadd.s32 $0x3200, s2;
	[sflag:s4] =	ssyncadd.s32 $0xFFFFFD80  }
0xc: {  	[tilespmem:s7], [sflag:$0x1] =	stream.indirect.gather [hbm4b:s6+s7], $0x1, s3, s7, $0xb8;
	[tilespmem:$0x1180] =	vst v63  }
0xd: {  	s9 =	simm.s32 $0x500;
	s8 =	sadd.s32 $0x2800, s2  }
0xe: {  	[tilespmem:s9], [sflag:$0x1] =	stream.indirect.gather [hbm4b:s8+s7], $0x1, s3, s7, $0xb8;
	[tilespmem:$0x1180] =	vst v63  }
0xf: {  	s11 =	simm.s32 $0x780;
	s10 =	sadd.s32 $0x1E00, s2  }
0x10: {  	[tilespmem:s11], [sflag:$0x1] =	stream.indirect.gather [hbm4b:s10+s7], $0x1, s3, s7, $0xb8;
	[tilespmem:$0x1180] =	vst v63  }
0x11: {  	s13 =	simm.s32 $0xA00;
	s12 =	sadd.s32 $0x1400, s2  }
0x12: {  	[tilespmem:s13], [sflag:$0x1] =	stream.indirect.gather [hbm4b:s12+s7], $0x1, s3, s7, $0xb8;
	[tilespmem:$0x1180] =	vst v63  }
0x13: {  	s14 =	simm.s32 $0xC80  }
0x14: {  	[tilespmem:s14], [sflag:$0x1] =	stream.indirect.gather [hbm4b:s2+s7], $0x1, s3, s7, $0xb8;
	[tilespmem:$0x1180] =	vst v63  }
0x15: {  	s16 =	simm.s32 $0xF00;
	s17 =	simm.s32 $0x1;
	s15 =	sadd.s32 $0xA00, s2  }
0x16: {  	[tilespmem:s16], [sflag:$0x1] =	stream.indirect.gather [hbm4b:s15+s7], $0x1, s3, s7, $0xb8;
	[tilespmem:$0x1180] =	vst v63  }
0x17: {  	_ =	swait.ge [sflag:s17], $0x280  }
0x18: {  	[sflag:s17] =	ssyncset.done $0x0  }
0x19: {  	[sflag:s17] =	ssyncadd.s32 $0xFFFFFD80  }
0x1a: {  	_ =	swait.ge [sflag:s17], $0x280  }
0x1b: {  	[sflag:s17] =	ssyncset.done $0x0  }
0x1c: {  	[sflag:s17] =	ssyncadd.s32 $0xFFFFFD80  }
0x1d: {  	_ =	swait.ge [sflag:s17], $0x280  }
0x1e: {  	[sflag:s17] =	ssyncset.done $0x0  }
0x1f: {  	[sflag:s17] =	ssyncadd.s32 $0xFFFFFD80  }
0x20: {  	_ =	swait.ge [sflag:s17], $0x280  }
0x21: {  	[sflag:s17] =	ssyncset.done $0x0  }
0x22: {  	s18 =	ssub.s32 $0x2, s18;
	[sflag:s17] =	ssyncadd.s32 $0xFFFFFD80  }
0x23: {  	s21 =	sshrl.u32 s18, $0x1;
	_ =	swait.ge [sflag:s17], $0x280  }
0x24: {  	s21 =	ssub.s32 s18, s21;
	[sflag:s17] =	ssyncset.done $0x0  }
0x25: {  	s31 =	smax.u32 s21, $0x1;
	[sflag:s17] =	ssyncadd.s32 $0xFFFFFD80  }
0x26: {  	p0 =	sne.s32 s31, $0x1;
	_ =	swait.ge [sflag:s17], $0x280  }
.Ltmp0:
0x27: {  	[sflag:s17] =	ssyncset.done $0x0;
	(pc) =	sbr.rel @!p0 .LBB2_2-.Ltmp0, $4  }
0x28: {  	s18 =	sadd.s32 s19, s20;
	s19 =	simm.s32 $0x5000;
	[sflag:s17] =	ssyncadd.s32 $0xFFFFFD80  }
0x29: {  	[hbm4b:s18+s7] =	stream.strided.scatter [tilespmem:s7], [sflag:$0x2], $0xF00, s19, s7, $0x38;
	[tilespmem:$0x1180] =	vst v63  }
0x2a: {  	_ =	swait.ge [sflag:s4], $0xF00  }
0x2b: {  	s20 =	sadd.s32 $0xFFFFFFFF, s31;
	[sflag:s4] =	ssyncset.done $0x0  }
.LBB2_1:
0x2c: {  	p0 =	sne.s32 s20, $0x1;
	s20 =	sadd.s32 $0xFFFFFFFF, s20;
	[sflag:s4] =	ssyncadd.s32 $0xFFFFF100  }
0x2d: {  	[tilespmem:s3], [sflag:$0x2] =	stream.linear.gather [hbm4b:s5+s3], $0x280, $0x38;
	[tilespmem:$0x1180] =	vst v63  }
0x2e: {  	_ =	swait.ge [sflag:s4], $0x280  }
0x2f: {  	[sflag:s4] =	ssyncset.done $0x0  }
0x30: {  	[sflag:s4] =	ssyncadd.s32 $0xFFFFFD80  }
0x31: {  	[tilespmem:s7], [sflag:$0x1] =	stream.indirect.gather [hbm4b:s6+s7], $0x1, s3, s7, $0xb8;
	[tilespmem:$0x1180] =	vst v63  }
0x32: {  	_ = 	snop  }
0x33: {  	[tilespmem:s9], [sflag:$0x1] =	stream.indirect.gather [hbm4b:s8+s7], $0x1, s3, s7, $0xb8;
	[tilespmem:$0x1180] =	vst v63  }
0x34: {  	_ = 	snop  }
0x35: {  	[tilespmem:s11], [sflag:$0x1] =	stream.indirect.gather [hbm4b:s10+s7], $0x1, s3, s7, $0xb8;
	[tilespmem:$0x1180] =	vst v63  }
0x36: {  	_ = 	snop  }
0x37: {  	[tilespmem:s13], [sflag:$0x1] =	stream.indirect.gather [hbm4b:s12+s7], $0x1, s3, s7, $0xb8;
	[tilespmem:$0x1180] =	vst v63  }
0x38: {  	_ = 	snop  }
0x39: {  	[tilespmem:s14], [sflag:$0x1] =	stream.indirect.gather [hbm4b:s2+s7], $0x1, s3, s7, $0xb8;
	[tilespmem:$0x1180] =	vst v63  }
0x3a: {  	_ = 	snop  }
0x3b: {  	[tilespmem:s16], [sflag:$0x1] =	stream.indirect.gather [hbm4b:s15+s7], $0x1, s3, s7, $0xb8;
	[tilespmem:$0x1180] =	vst v63  }
0x3c: {  	_ =	swait.ge [sflag:s17], $0x280  }
0x3d: {  	[sflag:s17] =	ssyncset.done $0x0  }
0x3e: {  	[sflag:s17] =	ssyncadd.s32 $0xFFFFFD80  }
0x3f: {  	_ =	swait.ge [sflag:s17], $0x280  }
0x40: {  	[sflag:s17] =	ssyncset.done $0x0  }
0x41: {  	[sflag:s17] =	ssyncadd.s32 $0xFFFFFD80  }
0x42: {  	_ =	swait.ge [sflag:s17], $0x280  }
0x43: {  	[sflag:s17] =	ssyncset.done $0x0  }
0x44: {  	[sflag:s17] =	ssyncadd.s32 $0xFFFFFD80  }
0x45: {  	_ =	swait.ge [sflag:s17], $0x280  }
0x46: {  	[sflag:s17] =	ssyncset.done $0x0  }
0x47: {  	[sflag:s17] =	ssyncadd.s32 $0xFFFFFD80  }
0x48: {  	_ =	swait.ge [sflag:s17], $0x280  }
0x49: {  	[sflag:s17] =	ssyncset.done $0x0  }
0x4a: {  	[sflag:s17] =	ssyncadd.s32 $0xFFFFFD80  }
0x4b: {  	_ =	swait.ge [sflag:s17], $0x280  }
.Ltmp1:
0x4c: {  	[sflag:s17] =	ssyncset.done $0x0;
	(pc) =	sbr.rel @p0 .LBB2_1-.Ltmp1, $4  }
0x4d: {  	[sflag:s17] =	ssyncadd.s32 $0xFFFFFD80  }
0x4e: {  	[hbm4b:s18+s7] =	stream.strided.scatter [tilespmem:s7], [sflag:$0x2], $0xF00, s19, s7, $0x38;
	[tilespmem:$0x1180] =	vst v63  }
0x4f: {  	_ =	swait.ge [sflag:s4], $0xF00  }
0x50: {  	[sflag:s4] =	ssyncset.done $0x0  }
.LBB2_2:
0x51: {  	[sflag:s4] =	ssyncadd.s32 $0xFFFFF100  }
0x52: {  	_ =	sfence.sel $0x180000  }
0x53: {  	[bflag:$0x0] =	sbarrier.arrive $0xFFFF  }
0x54: {  	p0 =	sne.s32 s0, $0x0;
	_ =	strace $0x90000047  }
0x55: {  	s0 =	sadd.s32 @!p0 $0x100000, s1;
	[bflag:$0x2] =	sbarrier.arrive $0xFFFF  }
0x56: {  	[sflag:s0] =	ssyncadd.tile.s32 @!p0 $0x1;
	_ =	shalt  }
.Lfunc_end2:
_tile_overlayer_lowered:
.L_overlay_start_2:
0x57: {  	(tag) =	ssettag $0x2  }
0x58: {  	s0 =	rddreg [dreg:$0x0];
	s2 =	stileid.u32  }
0x59: {  	s1 =	rddreg [dreg:$0x1];
	p0 =	sne.s32 s2, $0x0  }
0x5a: {  	s3 =	rddreg [dreg:$0x2];
	[bflag:$0x3] =	sbarrier.arrive $0xFFFF;
	s2 =	simm.s32 @!p0 $0x1C02  }
0x5b: {  	[timem:s3], [sflag:s2] =	dma.local @!p0 [hbm:s0], s1  }
0x5c: {  	s0 =	simm.s32 @!p0 $0x2  }
0x5d: {  	_ =	swait.ge @!p0 [sflag:s0], s1  }
0x5e: {  	s1 =	ssub.s32 @!p0 $0x0, s1;
	[sflag:s0] =	ssyncset.done @!p0 $0x0  }
0x5f: {  	[sflag:s0] =	ssyncadd.s32 @!p0 s1  }
0x60: {  	[bflag:$0x3] =	sbarrier.arrive $0xFFFF  }
0x61: {  	_ =	shalt  }

</sc_bundles>
